<compile_context>
chip_gen: v7x
topology: tpu7x:2x2x1
jax: 0.10.2.dev20260603
libtpu: 0.0.44.dev20260713+nightly
codegen_flags: <defaults>
</compile_context>

<pallas_src>
import functools

import jax
import jax.numpy as jnp
from jax import lax
from jax.experimental import pallas as pl
from jax.experimental.pallas import tpu as pltpu
from jax.experimental.pallas import tpu_sc as plsc

_LANES = 16
_WIN = 128


def _lse_body(x_ref, o_ref):
    x = x_ref[...]
    o_ref[0] = jnp.log(jnp.sum(jnp.exp(x), axis=-1))


def _sc_body(rows_w, c, x_tab, lab_hbm, w_hbm, labv, idxv, winv, sem):
    nc = 2
    wid = lax.axis_index("s") * nc + lax.axis_index("c")
    base = wid * rows_w
    pltpu.sync_copy(lab_hbm.at[pl.ds(base, rows_w)], labv)

    iota16 = lax.broadcasted_iota(jnp.int32, (_LANES,), 0)
    cw = c // _WIN
    for j in range(rows_w // _LANES):
        lab = labv[pl.ds(j * _LANES, _LANES)]
        rows = (base + j * _LANES) + iota16
        idx = rows * cw + lax.shift_right_logical(lab, 7)
        idxv[j // 8, pl.ds((j % 8) * _LANES, _LANES)] = idx

    for j in range(rows_w // 128):
        pltpu.async_copy(x_tab.at[idxv.at[j]],
                         winv.at[pl.ds(j * 128, 128)], sem).wait()

    pltpu.sync_copy(winv, w_hbm.at[pl.ds(base, rows_w)])


def _combine_body(y_ref, l_ref, w_ref, o_ref):
    y = y_ref[...]
    lse = l_ref[...]
    w = w_ref[...]
    lane = jnp.maximum(y, 0) & (_WIN - 1)
    lane3 = jax.lax.broadcast_in_dim(lane, w.shape, (0, 1))
    iota3 = jax.lax.broadcasted_iota(jnp.int32, w.shape, 2)
    g = jnp.sum(jnp.where(iota3 == lane3, w, 0.0), axis=-1)
    loss = jnp.where(y != -1, lse - g, 0.0)
    o_ref[...] = jnp.sum(loss, axis=-1, keepdims=True)


def kernel(y_true, y_pred):
    b, a, c = y_pred.shape
    bbb = 64
    nblk = b // bbb
    nw = 32
    rows = b * a
    rows_w = rows // nw

    yi = y_true.astype(jnp.int32)
    lab_flat = jnp.maximum(yi.reshape(rows), 0)

    x_tab = y_pred.reshape(rows * (c // _WIN), _WIN)
    mesh = plsc.VectorSubcoreMesh(core_axis_name="c", subcore_axis_name="s")
    wins = pl.kernel(
        functools.partial(_sc_body, rows_w, c),
        out_type=jax.ShapeDtypeStruct((rows, _WIN), jnp.float32),
        mesh=mesh,
        scratch_types=[
            pltpu.VMEM((rows_w,), jnp.int32),
            pltpu.VMEM((rows_w // 128, 128), jnp.int32),
            pltpu.VMEM((rows_w, _WIN), jnp.float32),
            pltpu.SemaphoreType.DMA,
        ],
    )(x_tab, lab_flat)

    lse = pl.pallas_call(
        _lse_body,
        grid=(nblk,),
        in_specs=[pl.BlockSpec((bbb, a, c), lambda i: (i, 0, 0))],
        out_specs=pl.BlockSpec((1, bbb, a), lambda i: (i, 0, 0)),
        out_shape=jax.ShapeDtypeStruct((nblk, bbb, a), jnp.float32),
    )(y_pred)

    out = pl.pallas_call(
        _combine_body,
        in_specs=[
            pl.BlockSpec((b, a), lambda: (0, 0)),
            pl.BlockSpec((b, a), lambda: (0, 0)),
            pl.BlockSpec((b, a, _WIN), lambda: (0, 0, 0)),
        ],
        out_specs=pl.BlockSpec((b, 1), lambda: (0, 0)),
        out_shape=jax.ShapeDtypeStruct((b, 1), jnp.float32),
    )(yi, lse.reshape(b, a), wins.reshape(b, a, _WIN))

    return out.reshape(b)

# --- scband reference (transcript-rebuilt; emitter-appended) ---
"""Pipeline reference for scband-local-argument-model-83537113907512 (READ-ONLY COPY).

The authoritative reference and input builder live on the scoring server;
editing this copy changes nothing except your own understanding.
"""

import jax, jax.numpy as jnp
import numpy as np

B, A, C = 1024, 8, 2048

def setup_inputs(seed: int = 0) -> dict:
    key = jax.random.key(seed)
    k1, k2 = jax.random.split(key)
    # y_true: argument ids per tactic; -1 would mean None argument. Here we draw
    # valid ids in [0, C) (the ragged-to-dense representation, padded with -1).
    y_true = jax.random.randint(k1, (B, A), 0, C)
    y_pred = jax.random.normal(k2, (B, A, C), dtype=jnp.float32)
    return {"y_true": y_true, "y_pred": y_pred}

def reference(y_true, y_pred):
    # Faithful dense translation of LocalArgumentSparseCategoricalCrossentropy /
    # arguments_filter: y_true is the ragged labels densified with default -1,
    # y_pred are the UNnormalized logits [B, max_args, context_size].
    # 1) filter out None (-1) argument positions
    mask = (y_true != -1)
    safe_args = jnp.where(mask, y_true, 0)
    # 2) logits are not normalized for the local task -> log_softmax
    logp = jax.nn.log_softmax(y_pred, axis=-1)
    # 3) gather the log-prob of each ground-truth argument (tf.gather batch_dims=2)
    gathered = jnp.take_along_axis(logp, safe_args[..., None], axis=-1)[..., 0]
    arg_losses = -gathered * mask.astype(jnp.float32)
    # 4) sum_loss_over_tactic=True -> sum argument losses per batch element
    return jnp.sum(arg_losses, axis=-1)

if __name__ == "__main__":
    import jax
    _d = setup_inputs()
    print(jax.jit(kernel)(*tuple(_d.values())))

</pallas_src>

<mosaic_0001>
#map = affine_map<(d0, d1) -> (0, 0)>
#map1 = affine_map<(d0, d1) -> (0)>
module attributes {stable_mosaic.version = 14 : i64} {
  func.func @_sc_body(%arg0: i32, %arg1: i32, %arg2: memref<131072x128xf32, #tpu.memory_space<hbm>>, %arg3: memref<8192xi32, #tpu.memory_space<hbm>>, %arg4: memref<8192x128xf32, #tpu.memory_space<hbm>>, %arg5: memref<256xi32, #tpu.memory_space<vmem>>, %arg6: memref<2x128xi32, #tpu.memory_space<vmem>>, %arg7: memref<256x128xf32, #tpu.memory_space<vmem>>, %arg8: memref<!tpu.dma_semaphore, #tpu.memory_space<semaphore_mem>>) attributes {dimension_semantics = [#tpu.dimension_semantics<core_parallel>, #tpu.dimension_semantics<subcore_parallel>], iteration_bounds = array<i64: 2, 16>, scalar_prefetch = 0 : i64, scratch_operands = 4 : i64, tpu.core_type = #tpu.core_type<sc_vector_subcore>, window_params = [{transform_indices = #map}, {transform_indices = #map1}, {transform_indices = #map}]} {
    %mul3A = arith.constant 2 : i32
    %mul3A_0 = arith.muli %arg1, %mul3A : i32
    %add3A = arith.addi %mul3A_0, %arg0 : i32
    %mul3A_1 = arith.constant 256 : i32
    %mul3A_2 = arith.muli %add3A, %mul3A_1 : i32
    "tpu.region"() ({
      %run_scoped3A = tpu.sem_alloc : memref<!tpu.dma_semaphore, #tpu.memory_space<semaphore_mem>>
      %dma_start3A_358 = tpu.memref_slice %arg3[%mul3A_2] : memref<8192xi32, #tpu.memory_space<hbm>> -> memref<256xi32, #tpu.memory_space<hbm>>
      %dma_start3A_359 = tpu.memref_slice %arg3[%mul3A_2] : memref<8192xi32, #tpu.memory_space<hbm>> -> memref<256xi32, #tpu.memory_space<hbm>>
      tpu.enqueue_dma source(%dma_start3A_359 : memref<256xi32, #tpu.memory_space<hbm>>) target(%arg5 : memref<256xi32, #tpu.memory_space<vmem>>) target_semaphore(%run_scoped3A : memref<!tpu.dma_semaphore, #tpu.memory_space<semaphore_mem>>)
      %dma_wait3A_360 = tpu.memref_slice %arg3[%mul3A_2] : memref<8192xi32, #tpu.memory_space<hbm>> -> memref<256xi32, #tpu.memory_space<hbm>>
      %dma_wait3A_361 = tpu.memref_slice %arg3[%mul3A_2] : memref<8192xi32, #tpu.memory_space<hbm>> -> memref<256xi32, #tpu.memory_space<hbm>>
      tpu.wait_dma2 semaphore(%run_scoped3A : memref<!tpu.dma_semaphore, #tpu.memory_space<semaphore_mem>>) src(%dma_wait3A_361 : memref<256xi32, #tpu.memory_space<hbm>>) dst(%arg5 : memref<256xi32, #tpu.memory_space<vmem>>)
      tpu.yield
    }) : () -> ()
    %iota3A = tpu.iota {dimensions = array<i32: 0>} : vector<16xi32>
    %get3A = arith.constant 0 : index
    %get3A_3 = tpu.vector_load %arg5[%get3A] {strides = array<i32>} : memref<256xi32, #tpu.memory_space<vmem>>, vector<16xi32>,
    %get3A_4 = vector.shape_cast %get3A_3 : vector<16xi32> to vector<16xi32>
    %add3A_5 = arith.constant 0 : i32
    %add3A_6 = arith.addi %mul3A_2, %add3A_5 : i32
    %add3A_7 = vector.broadcast %add3A_6 : i32 to vector<16xi32>
    %add3A_8 = arith.addi %add3A_7, %iota3A : vector<16xi32>
    %mul3A_9 = arith.constant 16 : i32
    %mul3A_10 = vector.broadcast %mul3A_9 : i32 to vector<16xi32>
    %mul3A_11 = arith.muli %add3A_8, %mul3A_10 : vector<16xi32>
    %shift_right_logical3A = arith.constant 7 : i32
    %shift_right_logical3A_12 = vector.broadcast %shift_right_logical3A : i32 to vector<16xi32>
    %shift_right_logical3A_13 = arith.shrui %get3A_4, %shift_right_logical3A_12 : vector<16xi32>
    %add3A_14 = arith.addi %mul3A_11, %shift_right_logical3A_13 : vector<16xi32>
    %swap3A = arith.constant 0 : i32
    %swap3A_15 = arith.index_cast %swap3A : i32 to index
    %swap3A_16 = arith.constant 0 : index
    %swap3A_17 = tpu.vector_load %arg6[%swap3A_15, %swap3A_16] {strides = array<i32>} : memref<2x128xi32, #tpu.memory_space<vmem>>, vector<1x16xi32>,
    %swap3A_18 = vector.shape_cast %swap3A_17 : vector<1x16xi32> to vector<16xi32>
    %swap3A_19 = vector.shape_cast %add3A_14 : vector<16xi32> to vector<1x16xi32>
    tpu.vector_store %arg6[%swap3A_15, %swap3A_16], %swap3A_19 {strides = array<i32>} : memref<2x128xi32, #tpu.memory_space<vmem>>, vector<1x16xi32>,
    %get3A_20 = arith.constant 16 : index
    %get3A_21 = tpu.vector_load %arg5[%get3A_20] {strides = array<i32>} : memref<256xi32, #tpu.memory_space<vmem>>, vector<16xi32>,
    %get3A_22 = vector.shape_cast %get3A_21 : vector<16xi32> to vector<16xi32>
    %add3A_23 = arith.constant 16 : i32
    %add3A_24 = arith.addi %mul3A_2, %add3A_23 : i32
    %add3A_25 = vector.broadcast %add3A_24 : i32 to vector<16xi32>
    %add3A_26 = arith.addi %add3A_25, %iota3A : vector<16xi32>
    %mul3A_27 = arith.constant 16 : i32
    %mul3A_28 = vector.broadcast %mul3A_27 : i32 to vector<16xi32>
    %mul3A_29 = arith.muli %add3A_26, %mul3A_28 : vector<16xi32>
    %shift_right_logical3A_30 = arith.constant 7 : i32
    %shift_right_logical3A_31 = vector.broadcast %shift_right_logical3A_30 : i32 to vector<16xi32>
    %shift_right_logical3A_32 = arith.shrui %get3A_22, %shift_right_logical3A_31 : vector<16xi32>
    %add3A_33 = arith.addi %mul3A_29, %shift_right_logical3A_32 : vector<16xi32>
    %swap3A_34 = arith.constant 0 : i32
    %swap3A_35 = arith.index_cast %swap3A_34 : i32 to index
    %swap3A_36 = arith.constant 16 : index
    %swap3A_37 = tpu.vector_load %arg6[%swap3A_35, %swap3A_36] {strides = array<i32>} : memref<2x128xi32, #tpu.memory_space<vmem>>, vector<1x16xi32>,
    %swap3A_38 = vector.shape_cast %swap3A_37 : vector<1x16xi32> to vector<16xi32>
    %swap3A_39 = vector.shape_cast %add3A_33 : vector<16xi32> to vector<1x16xi32>
    tpu.vector_store %arg6[%swap3A_35, %swap3A_36], %swap3A_39 {strides = array<i32>} : memref<2x128xi32, #tpu.memory_space<vmem>>, vector<1x16xi32>,
    %get3A_40 = arith.constant 32 : index
    %get3A_41 = tpu.vector_load %arg5[%get3A_40] {strides = array<i32>} : memref<256xi32, #tpu.memory_space<vmem>>, vector<16xi32>,
    %get3A_42 = vector.shape_cast %get3A_41 : vector<16xi32> to vector<16xi32>
    %add3A_43 = arith.constant 32 : i32
    %add3A_44 = arith.addi %mul3A_2, %add3A_43 : i32
    %add3A_45 = vector.broadcast %add3A_44 : i32 to vector<16xi32>
    %add3A_46 = arith.addi %add3A_45, %iota3A : vector<16xi32>
    %mul3A_47 = arith.constant 16 : i32
    %mul3A_48 = vector.broadcast %mul3A_47 : i32 to vector<16xi32>
    %mul3A_49 = arith.muli %add3A_46, %mul3A_48 : vector<16xi32>
    %shift_right_logical3A_50 = arith.constant 7 : i32
    %shift_right_logical3A_51 = vector.broadcast %shift_right_logical3A_50 : i32 to vector<16xi32>
    %shift_right_logical3A_52 = arith.shrui %get3A_42, %shift_right_logical3A_51 : vector<16xi32>
    %add3A_53 = arith.addi %mul3A_49, %shift_right_logical3A_52 : vector<16xi32>
    %swap3A_54 = arith.constant 0 : i32
    %swap3A_55 = arith.index_cast %swap3A_54 : i32 to index
    %swap3A_56 = arith.constant 32 : index
    %swap3A_57 = tpu.vector_load %arg6[%swap3A_55, %swap3A_56] {strides = array<i32>} : memref<2x128xi32, #tpu.memory_space<vmem>>, vector<1x16xi32>,
    %swap3A_58 = vector.shape_cast %swap3A_57 : vector<1x16xi32> to vector<16xi32>
    %swap3A_59 = vector.shape_cast %add3A_53 : vector<16xi32> to vector<1x16xi32>
    tpu.vector_store %arg6[%swap3A_55, %swap3A_56], %swap3A_59 {strides = array<i32>} : memref<2x128xi32, #tpu.memory_space<vmem>>, vector<1x16xi32>,
    %get3A_60 = arith.constant 48 : index
    %get3A_61 = tpu.vector_load %arg5[%get3A_60] {strides = array<i32>} : memref<256xi32, #tpu.memory_space<vmem>>, vector<16xi32>,
    %get3A_62 = vector.shape_cast %get3A_61 : vector<16xi32> to vector<16xi32>
    %add3A_63 = arith.constant 48 : i32
    %add3A_64 = arith.addi %mul3A_2, %add3A_63 : i32
    %add3A_65 = vector.broadcast %add3A_64 : i32 to vector<16xi32>
    %add3A_66 = arith.addi %add3A_65, %iota3A : vector<16xi32>
    %mul3A_67 = arith.constant 16 : i32
    %mul3A_68 = vector.broadcast %mul3A_67 : i32 to vector<16xi32>
    %mul3A_69 = arith.muli %add3A_66, %mul3A_68 : vector<16xi32>
    %shift_right_logical3A_70 = arith.constant 7 : i32
    %shift_right_logical3A_71 = vector.broadcast %shift_right_logical3A_70 : i32 to vector<16xi32>
    %shift_right_logical3A_72 = arith.shrui %get3A_62, %shift_right_logical3A_71 : vector<16xi32>
    %add3A_73 = arith.addi %mul3A_69, %shift_right_logical3A_72 : vector<16xi32>
    %swap3A_74 = arith.constant 0 : i32
    %swap3A_75 = arith.index_cast %swap3A_74 : i32 to index
    %swap3A_76 = arith.constant 48 : index
    %swap3A_77 = tpu.vector_load %arg6[%swap3A_75, %swap3A_76] {strides = array<i32>} : memref<2x128xi32, #tpu.memory_space<vmem>>, vector<1x16xi32>,
    %swap3A_78 = vector.shape_cast %swap3A_77 : vector<1x16xi32> to vector<16xi32>
    %swap3A_79 = vector.shape_cast %add3A_73 : vector<16xi32> to vector<1x16xi32>
    tpu.vector_store %arg6[%swap3A_75, %swap3A_76], %swap3A_79 {strides = array<i32>} : memref<2x128xi32, #tpu.memory_space<vmem>>, vector<1x16xi32>,
    %get3A_80 = arith.constant 64 : index
    %get3A_81 = tpu.vector_load %arg5[%get3A_80] {strides = array<i32>} : memref<256xi32, #tpu.memory_space<vmem>>, vector<16xi32>,
    %get3A_82 = vector.shape_cast %get3A_81 : vector<16xi32> to vector<16xi32>
    %add3A_83 = arith.constant 64 : i32
    %add3A_84 = arith.addi %mul3A_2, %add3A_83 : i32
    %add3A_85 = vector.broadcast %add3A_84 : i32 to vector<16xi32>
    %add3A_86 = arith.addi %add3A_85, %iota3A : vector<16xi32>
    %mul3A_87 = arith.constant 16 : i32
    %mul3A_88 = vector.broadcast %mul3A_87 : i32 to vector<16xi32>
    %mul3A_89 = arith.muli %add3A_86, %mul3A_88 : vector<16xi32>
    %shift_right_logical3A_90 = arith.constant 7 : i32
    %shift_right_logical3A_91 = vector.broadcast %shift_right_logical3A_90 : i32 to vector<16xi32>
    %shift_right_logical3A_92 = arith.shrui %get3A_82, %shift_right_logical3A_91 : vector<16xi32>
    %add3A_93 = arith.addi %mul3A_89, %shift_right_logical3A_92 : vector<16xi32>
    %swap3A_94 = arith.constant 0 : i32
    %swap3A_95 = arith.index_cast %swap3A_94 : i32 to index
    %swap3A_96 = arith.constant 64 : index
    %swap3A_97 = tpu.vector_load %arg6[%swap3A_95, %swap3A_96] {strides = array<i32>} : memref<2x128xi32, #tpu.memory_space<vmem>>, vector<1x16xi32>,
    %swap3A_98 = vector.shape_cast %swap3A_97 : vector<1x16xi32> to vector<16xi32>
    %swap3A_99 = vector.shape_cast %add3A_93 : vector<16xi32> to vector<1x16xi32>
    tpu.vector_store %arg6[%swap3A_95, %swap3A_96], %swap3A_99 {strides = array<i32>} : memref<2x128xi32, #tpu.memory_space<vmem>>, vector<1x16xi32>,
    %get3A_100 = arith.constant 80 : index
    %get3A_101 = tpu.vector_load %arg5[%get3A_100] {strides = array<i32>} : memref<256xi32, #tpu.memory_space<vmem>>, vector<16xi32>,
    %get3A_102 = vector.shape_cast %get3A_101 : vector<16xi32> to vector<16xi32>
    %add3A_103 = arith.constant 80 : i32
    %add3A_104 = arith.addi %mul3A_2, %add3A_103 : i32
    %add3A_105 = vector.broadcast %add3A_104 : i32 to vector<16xi32>
    %add3A_106 = arith.addi %add3A_105, %iota3A : vector<16xi32>
    %mul3A_107 = arith.constant 16 : i32
    %mul3A_108 = vector.broadcast %mul3A_107 : i32 to vector<16xi32>
    %mul3A_109 = arith.muli %add3A_106, %mul3A_108 : vector<16xi32>
    %shift_right_logical3A_110 = arith.constant 7 : i32
    %shift_right_logical3A_111 = vector.broadcast %shift_right_logical3A_110 : i32 to vector<16xi32>
    %shift_right_logical3A_112 = arith.shrui %get3A_102, %shift_right_logical3A_111 : vector<16xi32>
    %add3A_113 = arith.addi %mul3A_109, %shift_right_logical3A_112 : vector<16xi32>
    %swap3A_114 = arith.constant 0 : i32
    %swap3A_115 = arith.index_cast %swap3A_114 : i32 to index
    %swap3A_116 = arith.constant 80 : index
    %swap3A_117 = tpu.vector_load %arg6[%swap3A_115, %swap3A_116] {strides = array<i32>} : memref<2x128xi32, #tpu.memory_space<vmem>>, vector<1x16xi32>,
    %swap3A_118 = vector.shape_cast %swap3A_117 : vector<1x16xi32> to vector<16xi32>
    %swap3A_119 = vector.shape_cast %add3A_113 : vector<16xi32> to vector<1x16xi32>
    tpu.vector_store %arg6[%swap3A_115, %swap3A_116], %swap3A_119 {strides = array<i32>} : memref<2x128xi32, #tpu.memory_space<vmem>>, vector<1x16xi32>,
    %get3A_120 = arith.constant 96 : index
    %get3A_121 = tpu.vector_load %arg5[%get3A_120] {strides = array<i32>} : memref<256xi32, #tpu.memory_space<vmem>>, vector<16xi32>,
    %get3A_122 = vector.shape_cast %get3A_121 : vector<16xi32> to vector<16xi32>
    %add3A_123 = arith.constant 96 : i32
    %add3A_124 = arith.addi %mul3A_2, %add3A_123 : i32
    %add3A_125 = vector.broadcast %add3A_124 : i32 to vector<16xi32>
    %add3A_126 = arith.addi %add3A_125, %iota3A : vector<16xi32>
    %mul3A_127 = arith.constant 16 : i32
    %mul3A_128 = vector.broadcast %mul3A_127 : i32 to vector<16xi32>
    %mul3A_129 = arith.muli %add3A_126, %mul3A_128 : vector<16xi32>
    %shift_right_logical3A_130 = arith.constant 7 : i32
    %shift_right_logical3A_131 = vector.broadcast %shift_right_logical3A_130 : i32 to vector<16xi32>
    %shift_right_logical3A_132 = arith.shrui %get3A_122, %shift_right_logical3A_131 : vector<16xi32>
    %add3A_133 = arith.addi %mul3A_129, %shift_right_logical3A_132 : vector<16xi32>
    %swap3A_134 = arith.constant 0 : i32
    %swap3A_135 = arith.index_cast %swap3A_134 : i32 to index
    %swap3A_136 = arith.constant 96 : index
    %swap3A_137 = tpu.vector_load %arg6[%swap3A_135, %swap3A_136] {strides = array<i32>} : memref<2x128xi32, #tpu.memory_space<vmem>>, vector<1x16xi32>,
    %swap3A_138 = vector.shape_cast %swap3A_137 : vector<1x16xi32> to vector<16xi32>
    %swap3A_139 = vector.shape_cast %add3A_133 : vector<16xi32> to vector<1x16xi32>
    tpu.vector_store %arg6[%swap3A_135, %swap3A_136], %swap3A_139 {strides = array<i32>} : memref<2x128xi32, #tpu.memory_space<vmem>>, vector<1x16xi32>,
    %get3A_140 = arith.constant 112 : index
    %get3A_141 = tpu.vector_load %arg5[%get3A_140] {strides = array<i32>} : memref<256xi32, #tpu.memory_space<vmem>>, vector<16xi32>,
    %get3A_142 = vector.shape_cast %get3A_141 : vector<16xi32> to vector<16xi32>
    %add3A_143 = arith.constant 112 : i32
    %add3A_144 = arith.addi %mul3A_2, %add3A_143 : i32
    %add3A_145 = vector.broadcast %add3A_144 : i32 to vector<16xi32>
    %add3A_146 = arith.addi %add3A_145, %iota3A : vector<16xi32>
    %mul3A_147 = arith.constant 16 : i32
    %mul3A_148 = vector.broadcast %mul3A_147 : i32 to vector<16xi32>
    %mul3A_149 = arith.muli %add3A_146, %mul3A_148 : vector<16xi32>
    %shift_right_logical3A_150 = arith.constant 7 : i32
    %shift_right_logical3A_151 = vector.broadcast %shift_right_logical3A_150 : i32 to vector<16xi32>
    %shift_right_logical3A_152 = arith.shrui %get3A_142, %shift_right_logical3A_151 : vector<16xi32>
    %add3A_153 = arith.addi %mul3A_149, %shift_right_logical3A_152 : vector<16xi32>
    %swap3A_154 = arith.constant 0 : i32
    %swap3A_155 = arith.index_cast %swap3A_154 : i32 to index
    %swap3A_156 = arith.constant 112 : index
    %swap3A_157 = tpu.vector_load %arg6[%swap3A_155, %swap3A_156] {strides = array<i32>} : memref<2x128xi32, #tpu.memory_space<vmem>>, vector<1x16xi32>,
    %swap3A_158 = vector.shape_cast %swap3A_157 : vector<1x16xi32> to vector<16xi32>
    %swap3A_159 = vector.shape_cast %add3A_153 : vector<16xi32> to vector<1x16xi32>
    tpu.vector_store %arg6[%swap3A_155, %swap3A_156], %swap3A_159 {strides = array<i32>} : memref<2x128xi32, #tpu.memory_space<vmem>>, vector<1x16xi32>,
    %get3A_160 = arith.constant 128 : index
    %get3A_161 = tpu.vector_load %arg5[%get3A_160] {strides = array<i32>} : memref<256xi32, #tpu.memory_space<vmem>>, vector<16xi32>,
    %get3A_162 = vector.shape_cast %get3A_161 : vector<16xi32> to vector<16xi32>
    %add3A_163 = arith.constant 128 : i32
    %add3A_164 = arith.addi %mul3A_2, %add3A_163 : i32
    %add3A_165 = vector.broadcast %add3A_164 : i32 to vector<16xi32>
    %add3A_166 = arith.addi %add3A_165, %iota3A : vector<16xi32>
    %mul3A_167 = arith.constant 16 : i32
    %mul3A_168 = vector.broadcast %mul3A_167 : i32 to vector<16xi32>
    %mul3A_169 = arith.muli %add3A_166, %mul3A_168 : vector<16xi32>
    %shift_right_logical3A_170 = arith.constant 7 : i32
    %shift_right_logical3A_171 = vector.broadcast %shift_right_logical3A_170 : i32 to vector<16xi32>
    %shift_right_logical3A_172 = arith.shrui %get3A_162, %shift_right_logical3A_171 : vector<16xi32>
    %add3A_173 = arith.addi %mul3A_169, %shift_right_logical3A_172 : vector<16xi32>
    %swap3A_174 = arith.constant 1 : i32
    %swap3A_175 = arith.index_cast %swap3A_174 : i32 to index
    %swap3A_176 = arith.constant 0 : index
    %swap3A_177 = tpu.vector_load %arg6[%swap3A_175, %swap3A_176] {strides = array<i32>} : memref<2x128xi32, #tpu.memory_space<vmem>>, vector<1x16xi32>,
    %swap3A_178 = vector.shape_cast %swap3A_177 : vector<1x16xi32> to vector<16xi32>
    %swap3A_179 = vector.shape_cast %add3A_173 : vector<16xi32> to vector<1x16xi32>
    tpu.vector_store %arg6[%swap3A_175, %swap3A_176], %swap3A_179 {strides = array<i32>} : memref<2x128xi32, #tpu.memory_space<vmem>>, vector<1x16xi32>,
    %get3A_180 = arith.constant 144 : index
    %get3A_181 = tpu.vector_load %arg5[%get3A_180] {strides = array<i32>} : memref<256xi32, #tpu.memory_space<vmem>>, vector<16xi32>,
    %get3A_182 = vector.shape_cast %get3A_181 : vector<16xi32> to vector<16xi32>
    %add3A_183 = arith.constant 144 : i32
    %add3A_184 = arith.addi %mul3A_2, %add3A_183 : i32
    %add3A_185 = vector.broadcast %add3A_184 : i32 to vector<16xi32>
    %add3A_186 = arith.addi %add3A_185, %iota3A : vector<16xi32>
    %mul3A_187 = arith.constant 16 : i32
    %mul3A_188 = vector.broadcast %mul3A_187 : i32 to vector<16xi32>
    %mul3A_189 = arith.muli %add3A_186, %mul3A_188 : vector<16xi32>
    %shift_right_logical3A_190 = arith.constant 7 : i32
    %shift_right_logical3A_191 = vector.broadcast %shift_right_logical3A_190 : i32 to vector<16xi32>
    %shift_right_logical3A_192 = arith.shrui %get3A_182, %shift_right_logical3A_191 : vector<16xi32>
    %add3A_193 = arith.addi %mul3A_189, %shift_right_logical3A_192 : vector<16xi32>
    %swap3A_194 = arith.constant 1 : i32
    %swap3A_195 = arith.index_cast %swap3A_194 : i32 to index
    %swap3A_196 = arith.constant 16 : index
    %swap3A_197 = tpu.vector_load %arg6[%swap3A_195, %swap3A_196] {strides = array<i32>} : memref<2x128xi32, #tpu.memory_space<vmem>>, vector<1x16xi32>,
    %swap3A_198 = vector.shape_cast %swap3A_197 : vector<1x16xi32> to vector<16xi32>
    %swap3A_199 = vector.shape_cast %add3A_193 : vector<16xi32> to vector<1x16xi32>
    tpu.vector_store %arg6[%swap3A_195, %swap3A_196], %swap3A_199 {strides = array<i32>} : memref<2x128xi32, #tpu.memory_space<vmem>>, vector<1x16xi32>,
    %get3A_200 = arith.constant 160 : index
    %get3A_201 = tpu.vector_load %arg5[%get3A_200] {strides = array<i32>} : memref<256xi32, #tpu.memory_space<vmem>>, vector<16xi32>,
    %get3A_202 = vector.shape_cast %get3A_201 : vector<16xi32> to vector<16xi32>
    %add3A_203 = arith.constant 160 : i32
    %add3A_204 = arith.addi %mul3A_2, %add3A_203 : i32
    %add3A_205 = vector.broadcast %add3A_204 : i32 to vector<16xi32>
    %add3A_206 = arith.addi %add3A_205, %iota3A : vector<16xi32>
    %mul3A_207 = arith.constant 16 : i32
    %mul3A_208 = vector.broadcast %mul3A_207 : i32 to vector<16xi32>
    %mul3A_209 = arith.muli %add3A_206, %mul3A_208 : vector<16xi32>
    %shift_right_logical3A_210 = arith.constant 7 : i32
    %shift_right_logical3A_211 = vector.broadcast %shift_right_logical3A_210 : i32 to vector<16xi32>
    %shift_right_logical3A_212 = arith.shrui %get3A_202, %shift_right_logical3A_211 : vector<16xi32>
    %add3A_213 = arith.addi %mul3A_209, %shift_right_logical3A_212 : vector<16xi32>
    %swap3A_214 = arith.constant 1 : i32
    %swap3A_215 = arith.index_cast %swap3A_214 : i32 to index
    %swap3A_216 = arith.constant 32 : index
    %swap3A_217 = tpu.vector_load %arg6[%swap3A_215, %swap3A_216] {strides = array<i32>} : memref<2x128xi32, #tpu.memory_space<vmem>>, vector<1x16xi32>,
    %swap3A_218 = vector.shape_cast %swap3A_217 : vector<1x16xi32> to vector<16xi32>
    %swap3A_219 = vector.shape_cast %add3A_213 : vector<16xi32> to vector<1x16xi32>
    tpu.vector_store %arg6[%swap3A_215, %swap3A_216], %swap3A_219 {strides = array<i32>} : memref<2x128xi32, #tpu.memory_space<vmem>>, vector<1x16xi32>,
    %get3A_220 = arith.constant 176 : index
    %get3A_221 = tpu.vector_load %arg5[%get3A_220] {strides = array<i32>} : memref<256xi32, #tpu.memory_space<vmem>>, vector<16xi32>,
    %get3A_222 = vector.shape_cast %get3A_221 : vector<16xi32> to vector<16xi32>
    %add3A_223 = arith.constant 176 : i32
    %add3A_224 = arith.addi %mul3A_2, %add3A_223 : i32
    %add3A_225 = vector.broadcast %add3A_224 : i32 to vector<16xi32>
    %add3A_226 = arith.addi %add3A_225, %iota3A : vector<16xi32>
    %mul3A_227 = arith.constant 16 : i32
    %mul3A_228 = vector.broadcast %mul3A_227 : i32 to vector<16xi32>
    %mul3A_229 = arith.muli %add3A_226, %mul3A_228 : vector<16xi32>
    %shift_right_logical3A_230 = arith.constant 7 : i32
    %shift_right_logical3A_231 = vector.broadcast %shift_right_logical3A_230 : i32 to vector<16xi32>
    %shift_right_logical3A_232 = arith.shrui %get3A_222, %shift_right_logical3A_231 : vector<16xi32>
    %add3A_233 = arith.addi %mul3A_229, %shift_right_logical3A_232 : vector<16xi32>
    %swap3A_234 = arith.constant 1 : i32
    %swap3A_235 = arith.index_cast %swap3A_234 : i32 to index
    %swap3A_236 = arith.constant 48 : index
    %swap3A_237 = tpu.vector_load %arg6[%swap3A_235, %swap3A_236] {strides = array<i32>} : memref<2x128xi32, #tpu.memory_space<vmem>>, vector<1x16xi32>,
    %swap3A_238 = vector.shape_cast %swap3A_237 : vector<1x16xi32> to vector<16xi32>
    %swap3A_239 = vector.shape_cast %add3A_233 : vector<16xi32> to vector<1x16xi32>
    tpu.vector_store %arg6[%swap3A_235, %swap3A_236], %swap3A_239 {strides = array<i32>} : memref<2x128xi32, #tpu.memory_space<vmem>>, vector<1x16xi32>,
    %get3A_240 = arith.constant 192 : index
    %get3A_241 = tpu.vector_load %arg5[%get3A_240] {strides = array<i32>} : memref<256xi32, #tpu.memory_space<vmem>>, vector<16xi32>,
    %get3A_242 = vector.shape_cast %get3A_241 : vector<16xi32> to vector<16xi32>
    %add3A_243 = arith.constant 192 : i32
    %add3A_244 = arith.addi %mul3A_2, %add3A_243 : i32
    %add3A_245 = vector.broadcast %add3A_244 : i32 to vector<16xi32>
    %add3A_246 = arith.addi %add3A_245, %iota3A : vector<16xi32>
    %mul3A_247 = arith.constant 16 : i32
    %mul3A_248 = vector.broadcast %mul3A_247 : i32 to vector<16xi32>
    %mul3A_249 = arith.muli %add3A_246, %mul3A_248 : vector<16xi32>
    %shift_right_logical3A_250 = arith.constant 7 : i32
    %shift_right_logical3A_251 = vector.broadcast %shift_right_logical3A_250 : i32 to vector<16xi32>
    %shift_right_logical3A_252 = arith.shrui %get3A_242, %shift_right_logical3A_251 : vector<16xi32>
    %add3A_253 = arith.addi %mul3A_249, %shift_right_logical3A_252 : vector<16xi32>
    %swap3A_254 = arith.constant 1 : i32
    %swap3A_255 = arith.index_cast %swap3A_254 : i32 to index
    %swap3A_256 = arith.constant 64 : index
    %swap3A_257 = tpu.vector_load %arg6[%swap3A_255, %swap3A_256] {strides = array<i32>} : memref<2x128xi32, #tpu.memory_space<vmem>>, vector<1x16xi32>,
    %swap3A_258 = vector.shape_cast %swap3A_257 : vector<1x16xi32> to vector<16xi32>
    %swap3A_259 = vector.shape_cast %add3A_253 : vector<16xi32> to vector<1x16xi32>
    tpu.vector_store %arg6[%swap3A_255, %swap3A_256], %swap3A_259 {strides = array<i32>} : memref<2x128xi32, #tpu.memory_space<vmem>>, vector<1x16xi32>,
    %get3A_260 = arith.constant 208 : index
    %get3A_261 = tpu.vector_load %arg5[%get3A_260] {strides = array<i32>} : memref<256xi32, #tpu.memory_space<vmem>>, vector<16xi32>,
    %get3A_262 = vector.shape_cast %get3A_261 : vector<16xi32> to vector<16xi32>
    %add3A_263 = arith.constant 208 : i32
    %add3A_264 = arith.addi %mul3A_2, %add3A_263 : i32
    %add3A_265 = vector.broadcast %add3A_264 : i32 to vector<16xi32>
    %add3A_266 = arith.addi %add3A_265, %iota3A : vector<16xi32>
    %mul3A_267 = arith.constant 16 : i32
    %mul3A_268 = vector.broadcast %mul3A_267 : i32 to vector<16xi32>
    %mul3A_269 = arith.muli %add3A_266, %mul3A_268 : vector<16xi32>
    %shift_right_logical3A_270 = arith.constant 7 : i32
    %shift_right_logical3A_271 = vector.broadcast %shift_right_logical3A_270 : i32 to vector<16xi32>
    %shift_right_logical3A_272 = arith.shrui %get3A_262, %shift_right_logical3A_271 : vector<16xi32>
    %add3A_273 = arith.addi %mul3A_269, %shift_right_logical3A_272 : vector<16xi32>
    %swap3A_274 = arith.constant 1 : i32
    %swap3A_275 = arith.index_cast %swap3A_274 : i32 to index
    %swap3A_276 = arith.constant 80 : index
    %swap3A_277 = tpu.vector_load %arg6[%swap3A_275, %swap3A_276] {strides = array<i32>} : memref<2x128xi32, #tpu.memory_space<vmem>>, vector<1x16xi32>,
    %swap3A_278 = vector.shape_cast %swap3A_277 : vector<1x16xi32> to vector<16xi32>
    %swap3A_279 = vector.shape_cast %add3A_273 : vector<16xi32> to vector<1x16xi32>
    tpu.vector_store %arg6[%swap3A_275, %swap3A_276], %swap3A_279 {strides = array<i32>} : memref<2x128xi32, #tpu.memory_space<vmem>>, vector<1x16xi32>,
    %get3A_280 = arith.constant 224 : index
    %get3A_281 = tpu.vector_load %arg5[%get3A_280] {strides = array<i32>} : memref<256xi32, #tpu.memory_space<vmem>>, vector<16xi32>,
    %get3A_282 = vector.shape_cast %get3A_281 : vector<16xi32> to vector<16xi32>
    %add3A_283 = arith.constant 224 : i32
    %add3A_284 = arith.addi %mul3A_2, %add3A_283 : i32
    %add3A_285 = vector.broadcast %add3A_284 : i32 to vector<16xi32>
    %add3A_286 = arith.addi %add3A_285, %iota3A : vector<16xi32>
    %mul3A_287 = arith.constant 16 : i32
    %mul3A_288 = vector.broadcast %mul3A_287 : i32 to vector<16xi32>
    %mul3A_289 = arith.muli %add3A_286, %mul3A_288 : vector<16xi32>
    %shift_right_logical3A_290 = arith.constant 7 : i32
    %shift_right_logical3A_291 = vector.broadcast %shift_right_logical3A_290 : i32 to vector<16xi32>
    %shift_right_logical3A_292 = arith.shrui %get3A_282, %shift_right_logical3A_291 : vector<16xi32>
    %add3A_293 = arith.addi %mul3A_289, %shift_right_logical3A_292 : vector<16xi32>
    %swap3A_294 = arith.constant 1 : i32
    %swap3A_295 = arith.index_cast %swap3A_294 : i32 to index
    %swap3A_296 = arith.constant 96 : index
    %swap3A_297 = tpu.vector_load %arg6[%swap3A_295, %swap3A_296] {strides = array<i32>} : memref<2x128xi32, #tpu.memory_space<vmem>>, vector<1x16xi32>,
    %swap3A_298 = vector.shape_cast %swap3A_297 : vector<1x16xi32> to vector<16xi32>
    %swap3A_299 = vector.shape_cast %add3A_293 : vector<16xi32> to vector<1x16xi32>
    tpu.vector_store %arg6[%swap3A_295, %swap3A_296], %swap3A_299 {strides = array<i32>} : memref<2x128xi32, #tpu.memory_space<vmem>>, vector<1x16xi32>,
    %get3A_300 = arith.constant 240 : index
    %get3A_301 = tpu.vector_load %arg5[%get3A_300] {strides = array<i32>} : memref<256xi32, #tpu.memory_space<vmem>>, vector<16xi32>,
    %get3A_302 = vector.shape_cast %get3A_301 : vector<16xi32> to vector<16xi32>
    %add3A_303 = arith.constant 240 : i32
    %add3A_304 = arith.addi %mul3A_2, %add3A_303 : i32
    %add3A_305 = vector.broadcast %add3A_304 : i32 to vector<16xi32>
    %add3A_306 = arith.addi %add3A_305, %iota3A : vector<16xi32>
    %mul3A_307 = arith.constant 16 : i32
    %mul3A_308 = vector.broadcast %mul3A_307 : i32 to vector<16xi32>
    %mul3A_309 = arith.muli %add3A_306, %mul3A_308 : vector<16xi32>
    %shift_right_logical3A_310 = arith.constant 7 : i32
    %shift_right_logical3A_311 = vector.broadcast %shift_right_logical3A_310 : i32 to vector<16xi32>
    %shift_right_logical3A_312 = arith.shrui %get3A_302, %shift_right_logical3A_311 : vector<16xi32>
    %add3A_313 = arith.addi %mul3A_309, %shift_right_logical3A_312 : vector<16xi32>
    %swap3A_314 = arith.constant 1 : i32
    %swap3A_315 = arith.index_cast %swap3A_314 : i32 to index
    %swap3A_316 = arith.constant 112 : index
    %swap3A_317 = tpu.vector_load %arg6[%swap3A_315, %swap3A_316] {strides = array<i32>} : memref<2x128xi32, #tpu.memory_space<vmem>>, vector<1x16xi32>,
    %swap3A_318 = vector.shape_cast %swap3A_317 : vector<1x16xi32> to vector<16xi32>
    %swap3A_319 = vector.shape_cast %add3A_313 : vector<16xi32> to vector<1x16xi32>
    tpu.vector_store %arg6[%swap3A_315, %swap3A_316], %swap3A_319 {strides = array<i32>} : memref<2x128xi32, #tpu.memory_space<vmem>>, vector<1x16xi32>,
    %dma_start3A = arith.constant 0 : i32
    %dma_start3A_320 = arith.constant 0 : i32
    %dma_start3A_321 = arith.constant 0 : i32
    %dma_start3A_322 = tpu.memref_slice %arg7[%dma_start3A_320, %dma_start3A_321] : memref<256x128xf32, #tpu.memory_space<vmem>> -> memref<128x128xf32, #tpu.memory_space<vmem>>
    %dma_start3A_323 = arith.constant 0 : i32
    %dma_start3A_324 = tpu.memref_slice %arg6[%dma_start3A, %dma_start3A_323] : memref<2x128xi32, #tpu.memory_space<vmem>> -> memref<1x128xi32, #tpu.memory_space<vmem>>
    %dma_start3A_325 = tpu.memref_squeeze %dma_start3A_324 : memref<1x128xi32, #tpu.memory_space<vmem>> -> memref<128xi32, #tpu.memory_space<vmem>>
    %dma_start3A_326 = arith.constant 0 : i32
    %dma_start3A_327 = arith.constant 0 : i32
    %dma_start3A_328 = tpu.memref_slice %arg2[%dma_start3A_326, %dma_start3A_327] : memref<131072x128xf32, #tpu.memory_space<hbm>> -> memref<131072x128xf32, #tpu.memory_space<hbm>>
    tpu.enqueue_indirect_dma source(%dma_start3A_328 : memref<131072x128xf32, #tpu.memory_space<hbm>>) target(%dma_start3A_322 : memref<128x128xf32, #tpu.memory_space<vmem>>) offsets(%dma_start3A_325 : memref<128xi32, #tpu.memory_space<vmem>>) semaphore(%arg8 : memref<!tpu.dma_semaphore, #tpu.memory_space<semaphore_mem>>)
    %dma_wait3A = arith.constant 0 : i32
    %dma_wait3A_329 = arith.constant 0 : i32
    %dma_wait3A_330 = arith.constant 0 : i32
    %dma_wait3A_331 = tpu.memref_slice %arg7[%dma_wait3A_329, %dma_wait3A_330] : memref<256x128xf32, #tpu.memory_space<vmem>> -> memref<128x128xf32, #tpu.memory_space<vmem>>
    %dma_wait3A_332 = arith.constant 0 : i32
    %dma_wait3A_333 = tpu.memref_slice %arg6[%dma_wait3A, %dma_wait3A_332] : memref<2x128xi32, #tpu.memory_space<vmem>> -> memref<1x128xi32, #tpu.memory_space<vmem>>
    %dma_wait3A_334 = tpu.memref_squeeze %dma_wait3A_333 : memref<1x128xi32, #tpu.memory_space<vmem>> -> memref<128xi32, #tpu.memory_space<vmem>>
    %dma_wait3A_335 = arith.constant 0 : i32
    %dma_wait3A_336 = arith.constant 0 : i32
    %dma_wait3A_337 = tpu.memref_slice %arg2[%dma_wait3A_335, %dma_wait3A_336] : memref<131072x128xf32, #tpu.memory_space<hbm>> -> memref<131072x128xf32, #tpu.memory_space<hbm>>
    tpu.wait_indirect_dma semaphore(%arg8 : memref<!tpu.dma_semaphore, #tpu.memory_space<semaphore_mem>>) src(%dma_wait3A_337 : memref<131072x128xf32, #tpu.memory_space<hbm>>) dst(%dma_wait3A_331 : memref<128x128xf32, #tpu.memory_space<vmem>>)
    %dma_start3A_338 = arith.constant 1 : i32
    %dma_start3A_339 = arith.constant 128 : i32
    %dma_start3A_340 = arith.constant 0 : i32
    %dma_start3A_341 = tpu.memref_slice %arg7[%dma_start3A_339, %dma_start3A_340] : memref<256x128xf32, #tpu.memory_space<vmem>> -> memref<128x128xf32, #tpu.memory_space<vmem>>
    %dma_start3A_342 = arith.constant 0 : i32
    %dma_start3A_343 = tpu.memref_slice %arg6[%dma_start3A_338, %dma_start3A_342] : memref<2x128xi32, #tpu.memory_space<vmem>> -> memref<1x128xi32, #tpu.memory_space<vmem>>
    %dma_start3A_344 = tpu.memref_squeeze %dma_start3A_343 : memref<1x128xi32, #tpu.memory_space<vmem>> -> memref<128xi32, #tpu.memory_space<vmem>>
    %dma_start3A_345 = arith.constant 0 : i32
    %dma_start3A_346 = arith.constant 0 : i32
    %dma_start3A_347 = tpu.memref_slice %arg2[%dma_start3A_345, %dma_start3A_346] : memref<131072x128xf32, #tpu.memory_space<hbm>> -> memref<131072x128xf32, #tpu.memory_space<hbm>>
    tpu.enqueue_indirect_dma source(%dma_start3A_347 : memref<131072x128xf32, #tpu.memory_space<hbm>>) target(%dma_start3A_341 : memref<128x128xf32, #tpu.memory_space<vmem>>) offsets(%dma_start3A_344 : memref<128xi32, #tpu.memory_space<vmem>>) semaphore(%arg8 : memref<!tpu.dma_semaphore, #tpu.memory_space<semaphore_mem>>)
    %dma_wait3A_348 = arith.constant 1 : i32
    %dma_wait3A_349 = arith.constant 128 : i32
    %dma_wait3A_350 = arith.constant 0 : i32
    %dma_wait3A_351 = tpu.memref_slice %arg7[%dma_wait3A_349, %dma_wait3A_350] : memref<256x128xf32, #tpu.memory_space<vmem>> -> memref<128x128xf32, #tpu.memory_space<vmem>>
    %dma_wait3A_352 = arith.constant 0 : i32
    %dma_wait3A_353 = tpu.memref_slice %arg6[%dma_wait3A_348, %dma_wait3A_352] : memref<2x128xi32, #tpu.memory_space<vmem>> -> memref<1x128xi32, #tpu.memory_space<vmem>>
    %dma_wait3A_354 = tpu.memref_squeeze %dma_wait3A_353 : memref<1x128xi32, #tpu.memory_space<vmem>> -> memref<128xi32, #tpu.memory_space<vmem>>
    %dma_wait3A_355 = arith.constant 0 : i32
    %dma_wait3A_356 = arith.constant 0 : i32
    %dma_wait3A_357 = tpu.memref_slice %arg2[%dma_wait3A_355, %dma_wait3A_356] : memref<131072x128xf32, #tpu.memory_space<hbm>> -> memref<131072x128xf32, #tpu.memory_space<hbm>>
    tpu.wait_indirect_dma semaphore(%arg8 : memref<!tpu.dma_semaphore, #tpu.memory_space<semaphore_mem>>) src(%dma_wait3A_357 : memref<131072x128xf32, #tpu.memory_space<hbm>>) dst(%dma_wait3A_351 : memref<128x128xf32, #tpu.memory_space<vmem>>)
    "tpu.region"() ({
      %run_scoped3A = tpu.sem_alloc : memref<!tpu.dma_semaphore, #tpu.memory_space<semaphore_mem>>
      %dma_start3A_358 = arith.constant 0 : i32
      %dma_start3A_359 = tpu.memref_slice %arg4[%mul3A_2, %dma_start3A_358] : memref<8192x128xf32, #tpu.memory_space<hbm>> -> memref<256x128xf32, #tpu.memory_space<hbm>>
      %dma_start3A_360 = arith.constant 0 : i32
      %dma_start3A_361 = tpu.memref_slice %arg4[%mul3A_2, %dma_start3A_360] : memref<8192x128xf32, #tpu.memory_space<hbm>> -> memref<256x128xf32, #tpu.memory_space<hbm>>
      tpu.enqueue_dma source(%arg7 : memref<256x128xf32, #tpu.memory_space<vmem>>) target(%dma_start3A_361 : memref<256x128xf32, #tpu.memory_space<hbm>>) target_semaphore(%run_scoped3A : memref<!tpu.dma_semaphore, #tpu.memory_space<semaphore_mem>>)
      %dma_wait3A_362 = arith.constant 0 : i32
      %dma_wait3A_363 = tpu.memref_slice %arg4[%mul3A_2, %dma_wait3A_362] : memref<8192x128xf32, #tpu.memory_space<hbm>> -> memref<256x128xf32, #tpu.memory_space<hbm>>
      %dma_wait3A_364 = arith.constant 0 : i32
      %dma_wait3A_365 = tpu.memref_slice %arg4[%mul3A_2, %dma_wait3A_364] : memref<8192x128xf32, #tpu.memory_space<hbm>> -> memref<256x128xf32, #tpu.memory_space<hbm>>
      tpu.wait_dma2 semaphore(%run_scoped3A : memref<!tpu.dma_semaphore, #tpu.memory_space<semaphore_mem>>) src(%arg7 : memref<256x128xf32, #tpu.memory_space<vmem>>) dst(%dma_wait3A_365 : memref<256x128xf32, #tpu.memory_space<hbm>>)
      tpu.yield
    }) : () -> ()
    return
  }
}

module attributes {stable_mosaic.version = 14 : i64} {
  func.func @_combine_body(%arg0: memref<1024x8xi32, #tpu.memory_space<vmem>>, %arg1: memref<1024x8xf32, #tpu.memory_space<vmem>>, %arg2: memref<1024x8x128xf32, #tpu.memory_space<vmem>>, %arg3: memref<1024x1xf32, #tpu.memory_space<vmem>>) attributes {dimension_semantics = [], scalar_prefetch = 0 : i64, scratch_operands = 0 : i64, tpu.core_type = #tpu.core_type<tc>} {
    %get3A = arith.constant 0 : index
    %get3A_0 = arith.constant 0 : index
    %get3A_1 = vector.load %arg0[%get3A, %get3A_0] : memref<1024x8xi32, #tpu.memory_space<vmem>>, vector<1024x8xi32>
    %get3A_2 = arith.constant 0 : index
    %get3A_3 = arith.constant 0 : index
    %get3A_4 = vector.load %arg1[%get3A_2, %get3A_3] : memref<1024x8xf32, #tpu.memory_space<vmem>>, vector<1024x8xf32>
    %get3A_5 = arith.constant 0 : index
    %get3A_6 = arith.constant 0 : index
    %get3A_7 = arith.constant 0 : index
    %get3A_8 = vector.load %arg2[%get3A_5, %get3A_6, %get3A_7] : memref<1024x8x128xf32, #tpu.memory_space<vmem>>, vector<1024x8x128xf32>
    %max3A = arith.constant 0 : i32
    %max3A_9 = vector.broadcast %max3A : i32 to vector<1024x8xi32>
    %max3A_10 = arith.maxsi %get3A_1, %max3A_9 : vector<1024x8xi32>
    %and3A = arith.constant 127 : i32
    %and3A_11 = vector.broadcast %and3A : i32 to vector<1024x8xi32>
    %and3A_12 = arith.andi %max3A_10, %and3A_11 : vector<1024x8xi32>
    %broadcast_in_dim3A = vector.shape_cast %and3A_12 : vector<1024x8xi32> to vector<1024x8x1xi32>
    %broadcast_in_dim3A_13 = vector.broadcast %broadcast_in_dim3A : vector<1024x8x1xi32> to vector<1024x8x128xi32>
    %iota3A = tpu.iota {dimensions = array<i32: 2>} : vector<1024x8x128xi32>
    %eq3A = arith.cmpi eq, %iota3A, %broadcast_in_dim3A_13 : vector<1024x8x128xi32>
    %jit3A = arith.constant 0.000000e+00 : f32
    %broadcast_in_dim3A_14 = vector.broadcast %jit3A : f32 to vector<1024x8x128xf32>
    %select_n3A = arith.select %eq3A, %get3A_8, %broadcast_in_dim3A_14 : vector<1024x8x128xi1>, vector<1024x8x128xf32>
    %reduce_sum3A = arith.constant dense<0.000000e+00> : vector<1024x8xf32>
    %reduce_sum3A_15 = vector.multi_reduction <add>, %select_n3A, %reduce_sum3A [2] : vector<1024x8x128xf32> to vector<1024x8xf32>
    %ne3A = arith.constant -1 : i32
    %ne3A_16 = vector.broadcast %ne3A : i32 to vector<1024x8xi32>
    %ne3A_17 = arith.cmpi ne, %get3A_1, %ne3A_16 : vector<1024x8xi32>
    %sub3A = arith.subf %get3A_4, %reduce_sum3A_15 : vector<1024x8xf32>
    %jit3A_18 = arith.constant 0.000000e+00 : f32
    %broadcast_in_dim3A_19 = vector.broadcast %jit3A_18 : f32 to vector<1024x8xf32>
    %select_n3A_20 = arith.select %ne3A_17, %sub3A, %broadcast_in_dim3A_19 : vector<1024x8xi1>, vector<1024x8xf32>
    %reduce_sum3A_21 = arith.constant dense<0.000000e+00> : vector<1024xf32>
    %reduce_sum3A_22 = vector.multi_reduction <add>, %select_n3A_20, %reduce_sum3A_21 [1] : vector<1024x8xf32> to vector<1024xf32>
    %broadcast_in_dim3A_23 = vector.shape_cast %reduce_sum3A_22 : vector<1024xf32> to vector<1024x1xf32>
    %swap3A = arith.constant 0 : index
    %swap3A_24 = arith.constant 0 : index
    %swap3A_25 = vector.load %arg3[%swap3A, %swap3A_24] : memref<1024x1xf32, #tpu.memory_space<vmem>>, vector<1024x1xf32>
    tpu.vector_store %arg3[%swap3A, %swap3A_24], %broadcast_in_dim3A_23 {strides = array<i32>} : memref<1024x1xf32, #tpu.memory_space<vmem>>, vector<1024x1xf32>,
    return
  }
}

module attributes {stable_mosaic.version = 14 : i64} {
  func.func @_lse_body(%arg0: i32, %arg1: memref<64x8x2048xf32, #tpu.memory_space<vmem>>, %arg2: memref<1x64x8xf32, #tpu.memory_space<vmem>>) attributes {dimension_semantics = [#tpu.dimension_semantics<arbitrary>], iteration_bounds = array<i64: 16>, scalar_prefetch = 0 : i64, scratch_operands = 0 : i64, tpu.core_type = #tpu.core_type<tc>, window_params = [{transform_indices = @transform_0, window_bounds = array<i64: 64, 8, 2048>}, {transform_indices = @transform_1, window_bounds = array<i64: 1, 64, 8>}]} {
    %get3A = arith.constant 0 : index
    %get3A_0 = arith.constant 0 : index
    %get3A_1 = arith.constant 0 : index
    %get3A_2 = vector.load %arg1[%get3A, %get3A_0, %get3A_1] : memref<64x8x2048xf32, #tpu.memory_space<vmem>>, vector<64x8x2048xf32>
    %exp3A = math.exp %get3A_2 : vector<64x8x2048xf32>
    %reduce_sum3A = arith.constant dense<0.000000e+00> : vector<64x8xf32>
    %reduce_sum3A_3 = vector.multi_reduction <add>, %exp3A, %reduce_sum3A [2] : vector<64x8x2048xf32> to vector<64x8xf32>
    %log3A = math.log %reduce_sum3A_3 : vector<64x8xf32>
    %swap3A = arith.constant 0 : index
    %swap3A_4 = arith.constant 0 : index
    %swap3A_5 = arith.constant 0 : index
    %swap3A_6 = vector.load %arg2[%swap3A, %swap3A_4, %swap3A_5] : memref<1x64x8xf32, #tpu.memory_space<vmem>>, vector<1x64x8xf32>
    %swap3A_7 = vector.shape_cast %swap3A_6 : vector<1x64x8xf32> to vector<64x8xf32>
    %swap3A_8 = vector.shape_cast %log3A : vector<64x8xf32> to vector<1x64x8xf32>
    tpu.vector_store %arg2[%swap3A, %swap3A_4, %swap3A_5], %swap3A_8 {strides = array<i32>} : memref<1x64x8xf32, #tpu.memory_space<vmem>>, vector<1x64x8xf32>,
    return
  }
  func.func @transform_0(%arg0: i32) -> (i32, i32, i32) {
    %c0_i32 = arith.constant 0 : i32
    %c0_i32_0 = arith.constant 0 : i32
    %c0_i32_1 = arith.constant 0 : i32
    return %arg0, %c0_i32, %c0_i32_0 : i32, i32, i32
  }
  func.func @transform_1(%arg0: i32) -> (i32, i32, i32) {
    %c0_i32 = arith.constant 0 : i32
    %c0_i32_0 = arith.constant 0 : i32
    %c0_i32_1 = arith.constant 0 : i32
    return %arg0, %c0_i32, %c0_i32_0 : i32, i32, i32
  }
}

</mosaic_0001>

<sc_bundles>
// kernel: kernel.5.cloned.1.call-start
scs
__scs_entry_jumppad:
0x0: {  	(pc) =	sbr.rel $0x88, $3  }
0x1: {  	(tag) =	ssettag $0x0;
	lr =	simm.s32 $0x1  }
0x2: {  	[smem:$0x3F9F] =	sst lr;
	_ =	strace $0xD0000000  }
0x3: {  	_ = 	snop  }
0x4: {  	_ = 	snop  }
0x5: {  	_ = 	snop  }
0x6: {  	_ = 	snop  }
0x7: {  	_ = 	snop  }
__scs_overlays_trampoline_lowered:
0x8: {  	[smem:$0x3FAE] =	sst s0  }
0x9: {  	[smem:$0x3FAF] =	sst s1  }
0xa: {  	[smem:$0x3FB0] =	sst s2  }
0xb: {  	[smem:$0x3FB1] =	sst s3  }
0xc: {  	[smem:$0x3FB2] =	sst s4  }
0xd: {  	[smem:$0x3FB3] =	sst s5  }
0xe: {  	[smem:$0x3FB4] =	sst s6  }
0xf: {  	[smem:$0x3FB5] =	sst s7  }
0x10: {  	[smem:$0x3FB6] =	sst s8  }
0x11: {  	[smem:$0x3FB7] =	sst s9;
	s0 =	simm.s32 @!p0 $0x0  }
0x12: {  	s1 =	sld [smem:$0x3F9D];
	s0 =	simm.s32 @p0 $0x1  }
0x13: {  	[smem:$0x3FB8] =	sst s0;
	s0 =	simm.s32 @!p1 $0x0  }
0x14: {  	s2 =	sld [smem:$0x3F9C];
	s0 =	simm.s32 @p1 $0x1  }
0x15: {  	[smem:$0x3FB9] =	sst s0;
	s0 =	simm.s32 @!p2 $0x0  }
0x16: {  	s3 =	sld [smem:$0x3FDB];
	s0 =	simm.s32 @p2 $0x1  }
0x17: {  	s4 =	simm.s32 $0x1BF5;
	[smem:$0x3FBB] =	sst s0  }
0x18: {  	s0 =	sld [smem:$0x3F9E];
	_ =	swait.ge [sflag:s4], $0x0  }
0x19: {  	s7 =	sld [smem:$0x3F9F]  }
0x1a: {  	s8 =	sadd.s32 $0xFFFFE003, lr  }
0x1b: {  	s9 =	sadd.s32 $0xFFFFFEF7, lr;
	s5 =	simm.s32 $0xFFFFFFFF;
	p2 =	slt.u32 s8, $0xFFFFF086  }
0x1c: {  	p1 =	slt.u32 s9, $0xF7A;
	s5 =	simm.s32 @!p2 $0x0  }
0x1d: {  	s5 =	simm.s32 @p1 $0x1;
	p0 =	seq.s32 s7, s2  }
0x1e: {  	s7 =	smul.u32 @!p0 $0xF7A, s2;
	p2 =	seq.s32 @!p0 s5, $0x0  }
0x1f: {  	s9 =	smul.u32 $0xF7A, s1;
	s8 =	simm.s32 @!p0 $0x1BF5;
	p2 =	por !p2, p0  }
0x20: {  	[sflag:s8] =	ssyncset.s32 @!p0 $0xFFFFF086;
	s6 =	sadd.s32 @!p0 s3, s7;
	s7 =	simm.s32 @!p0 $0x108  }
0x21: {  	s3 =	sadd.s32 s3, s9;
	s6 =	sadd.s32 @!p0 $0x88, s6;
	s7 =	simm.s32 @p2 $0x1082  }
0x22: {  	[simem:s7], [sflag:s8] =	dma.local @!p0 [hbm:s6], $0xF7A  }
0x23: {  	s9 =	sor.u32 $0xD0000000, s2;
	s6 =	simm.s32 $0x108;
	_ =	swait.ge @!p0 [sflag:s8], $0x0  }
0x24: {  	s3 =	sadd.s32 $0x88, s3;
	s6 =	simm.s32 @!p1 $0x1082;
	[sflag:s4] =	ssyncset.s32 $0xFFFFF086  }
0x25: {  	[simem:s6], [sflag:s4] =	dma.local [hbm:s3], $0xF7A  }
0x26: {  	[smem:$0x3F9F] =	sst s1;
	(tag) =	ssettag s2;
	_ =	strace s9  }
0x27: {  	s1 =	sld [smem:$0x3FAF]  }
0x28: {  	s2 =	sld [smem:$0x3FB0]  }
0x29: {  	s4 =	sld [smem:$0x3FB2]  }
0x2a: {  	p0 =	seq.s32 s5, $0x0;
	s5 =	sld [smem:$0x3FB3]  }
0x2b: {  	s6 =	sld [smem:$0x3FB4]  }
0x2c: {  	s7 =	sld [smem:$0x3FB5]  }
0x2d: {  	s3 =	simm.s32 $0x108;
	s8 =	sld [smem:$0x3FB6]  }
0x2e: {  	s3 =	simm.s32 @!p0 $0x1082;
	s9 =	sld [smem:$0x3FB7]  }
0x2f: {  	lr =	sadd.s32 s0, s3;
	s0 =	sld [smem:$0x3FAE]  }
0x30: {  	s3 =	sld [smem:$0x3FB1]  }
0x31: {  	[smem:$0x3FBA] =	sst s10  }
0x32: {  	s10 =	sld [smem:$0x3FB8];
	_ =	sdelay $0x3  }
0x33: {  	p0 =	seq.s32 s10, $0x1;
	s10 =	sld [smem:$0x3FBA];
	_ =	sdelay $0x3  }
0x34: {  	[smem:$0x3FBA] =	sst s10  }
0x35: {  	s10 =	sld [smem:$0x3FB9];
	_ =	sdelay $0x3  }
0x36: {  	p1 =	seq.s32 s10, $0x1;
	s10 =	sld [smem:$0x3FBA];
	_ =	sdelay $0x3  }
0x37: {  	[smem:$0x3FBA] =	sst s10  }
0x38: {  	s10 =	sld [smem:$0x3FBB]  }
0x39: {  	_ = 	snop;
	(pc) =	sbr.ind lr, $3  }
0x3a: {  	_ = 	snop  }
0x3b: {  	_ = 	snop  }
0x3c: {  	p2 =	seq.s32 s10, $0x1;
	s10 =	sld [smem:$0x3FBA]  }
0x3d: {  	_ =	shalt  }
0x3e: {  	_ =	shalt  }
0x3f: {  	_ =	shalt  }
0x40: {  	_ =	shalt  }
0x41: {  	_ =	shalt  }
0x42: {  	_ =	shalt  }
0x43: {  	_ =	shalt  }
0x44: {  	_ =	shalt  }
0x45: {  	_ =	shalt  }
0x46: {  	_ =	shalt  }
0x47: {  	_ =	shalt  }
0x48: {  	_ =	shalt  }
0x49: {  	_ =	shalt  }
0x4a: {  	_ =	shalt  }
0x4b: {  	_ =	shalt  }
0x4c: {  	_ =	shalt  }
0x4d: {  	_ =	shalt  }
0x4e: {  	_ =	shalt  }
0x4f: {  	_ =	shalt  }
0x50: {  	_ =	shalt  }
0x51: {  	_ =	shalt  }
0x52: {  	_ =	shalt  }
0x53: {  	_ =	shalt  }
0x54: {  	_ =	shalt  }
0x55: {  	_ =	shalt  }
0x56: {  	_ =	shalt  }
0x57: {  	_ =	shalt  }
0x58: {  	_ =	shalt  }
0x59: {  	_ =	shalt  }
0x5a: {  	_ =	shalt  }
0x5b: {  	_ =	shalt  }
0x5c: {  	_ =	shalt  }
0x5d: {  	_ =	shalt  }
0x5e: {  	_ =	shalt  }
0x5f: {  	_ =	shalt  }
0x60: {  	_ =	shalt  }
0x61: {  	_ =	shalt  }
0x62: {  	_ =	shalt  }
0x63: {  	_ =	shalt  }
0x64: {  	_ =	shalt  }
0x65: {  	_ =	shalt  }
0x66: {  	_ =	shalt  }
0x67: {  	_ =	shalt  }
0x68: {  	_ =	shalt  }
0x69: {  	_ =	shalt  }
0x6a: {  	_ =	shalt  }
0x6b: {  	_ =	shalt  }
0x6c: {  	_ =	shalt  }
0x6d: {  	_ =	shalt  }
0x6e: {  	_ =	shalt  }
0x6f: {  	_ =	shalt  }
0x70: {  	_ =	shalt  }
0x71: {  	_ =	shalt  }
0x72: {  	_ =	shalt  }
0x73: {  	_ =	shalt  }
0x74: {  	_ =	shalt  }
0x75: {  	_ =	shalt  }
0x76: {  	_ =	shalt  }
0x77: {  	_ =	shalt  }
0x78: {  	_ =	shalt  }
0x79: {  	_ =	shalt  }
0x7a: {  	_ =	shalt  }
0x7b: {  	_ =	shalt  }
0x7c: {  	_ =	shalt  }
0x7d: {  	_ =	shalt  }
0x7e: {  	_ =	shalt  }
0x7f: {  	_ =	shalt  }
0x80: {  	_ =	shalt  }
0x81: {  	_ =	shalt  }
0x82: {  	_ =	shalt  }
0x83: {  	_ =	shalt  }
0x84: {  	_ =	shalt  }
0x85: {  	_ =	shalt  }
0x86: {  	_ =	shalt  }
0x87: {  	_ =	shalt  }
.Lfunc_end0:
.L_simem_size_0:
called_computation_lowered:
.L_overlay_start_0:
0x88: {  	s2 =	sld [smem:$0x3FD9]  }
0x89: {  	s3 =	sld [smem:$0x3FFE];
	_ =	sdelay $0x1  }
0x8a: {  	s1 =	srdreg.scid  }
0x8b: {  	s0 =	sand.u32 $0x1, s1  }
0x8c: {  	s16 =	sshll.u32 s0, $0xA;
	s2 =	sadd.s32 s3, s2  }
0x8d: {  	s2 =	sadd.s32 s2, s16  }
0x8e: {  	[smem:$0x3FC6] =	sst s2  }
0x8f: {  	_ = 	snop  }
0x90: {  	(tm) =	ssettm $0x1  }
0x91: {  	s17 =	sld [smem:$0x3FFB];
	_ =	sdelay $0x3  }
0x92: {  	_ =	strace s17  }
0x93: {  	s2 =	sld [smem:$0x3FFC];
	_ =	sdelay $0x3  }
0x94: {  	_ =	strace s2  }
0x95: {  	s2 =	sld [smem:$0x3FFD];
	_ =	sdelay $0x3  }
0x96: {  	_ =	strace s2  }
0x97: {  	_ =	strace $0x8FFFFFFF  }
0x98: {  	s18 =	sld [smem:$0x3FDB];
	_ =	sdelay $0x1  }
0x99: {  	s19 =	simm.s32 $_scs_section_size  }
0x9a: {  	s4 =	simm.s32 $_size__tile_overlayer_lowered;
	s5 =	simm.s32 $_tile_overlayer_lowered  }
0x9b: {  	s22 =	simm.s32 $0x1BFF;
	s21 =	sshll.u32 s5, $0x1;
	s2 =	sadd.s32 s19, s18  }
0x9c: {  	s6 =	simm.s32 $0x0;
	s20 =	sshll.u32 s4, $0x1;
	s4 =	sadd.s32 s21, s2  }
0x9d: {  	[timem:s6], [sflag:s22] =	dma.local [hbm:s4], s20  }
0x9e: {  	_ =	swait.ge [sflag:s22], s20  }
0x9f: {  	s3 =	ssub.s32 $0x0, s20;
	[sflag:s22] =	ssyncset.done $0x0  }
0xa0: {  	[sflag:s22] =	ssyncadd.s32 s3;
	_ =	sdelay $0x1  }
0xa1: {  	s23 =	simm.s32 $0x1B8B  }
0xa2: {  	_ =	swait.ge [sflag:s23], $0x1  }
0xa3: {  	[sflag:s23] =	ssyncset.done $0x0  }
0xa4: {  	s25 =	simm.s32 $0x1B8E;
	s24 =	sld [smem:$0x3FFE];
	[sflag:s23] =	ssyncadd.s32 $0xFFFFFFFF  }
0xa5: {  	s26 =	simm.s32 $execute0_lowered;
	[smem:$0x3FD2] =	sst s25  }
0xa6: {  	s4 =	sshll.u32 s26, $0x1;
	_ =	strace $0x80000046;
	[dreg:$0x1] =	wrdreg $0xFFFFFFFF  }
0xa7: {  	s28 =	simm.s32 $_size_execute0_lowered;
	s2 =	sadd.s32 s2, s4;
	[dreg:$0x0] =	wrdreg $0x0  }
0xa8: {  	s4 =	sshll.u32 s28, $0x1;
	[dreg:$0x2] =	wrdreg s2  }
0xa9: {  	[dreg:$0x3] =	wrdreg s4  }
0xaa: {  	[dreg:$0x4] =	wrdreg $0xC0  }
0xab: {  	_ =	task [dreg:s6], $0x5FFFF  }
0xac: {  	[dreg:$0x1] =	wrdreg $0xFFFFFFFF  }
0xad: {  	[dreg:$0x0] =	wrdreg $0x60  }
0xae: {  	[dreg:$0x2] =	wrdreg s24  }
0xaf: {  	[dreg:$0x3] =	wrdreg $0x9  }
0xb0: {  	_ =	task.clear_ibuf [dreg:s6], $0x4FFFF;
	_ =	strace $0x90000046  }
0xb1: {  	s29 =	simm.s32 $0x9;
	_ =	strace $0x80000048  }
0xb2: {  	_ =	swait.ge [sflag:s29], $0x1  }
0xb3: {  	[sflag:s29] =	ssyncadd.s32 $0xFFFFFFFF  }
0xb4: {  	_ =	strace $0x90000048  }
0xb5: {  	_ =	sfence  }
0xb6: {  	s30 =	sld [smem:$0x0];
	_ =	sdelay $0x2  }
0xb7: {  	s31 =	sshll.u32 s1, $0xD;
	s1 =	sshrl.u32 s1, $0x2  }
0xb8: {  	s3 =	sand.u32 $0x4000, s31;
	s1 =	sadd.s32 s1, s30  }
0xb9: {  	s0 =	sor.u32 s3, s0;
	s1 =	sshll.u32 s1, $0x11  }
0xba: {  	s0 =	sor.u32 s1, s0  }
0xbb: {  	s0 =	sadd.s32 $0x8F2B, s0  }
0xbc: {  	[sflag:s0] =	ssyncadd.remote.s32 $0x1  }
0xbd: {  	_ =	sfence.sel $0xFFFF  }
0xbe: {  	[dreg:$0x0] =	wrdreg $0xFFFFFFFF;
	(pc) =	sbr.abs _section_cstart, $3  }
0xbf: {  	[dreg:$0x1] =	wrdreg $0xFFFFFFFF  }
0xc0: {  	_ =	task.clear_ibuf [dreg:s6], $0x2FFFF;
	_ =	strace $0x9FFFFFFF  }
0xc1: {  	(tm) =	ssettm $0x7FFFFFFF  }
tec
execute0_lowered:
.L_overlay_start_1:
0x0: {  	(tag) =	ssettag $0x1  }
0x1: {  	s1 =	srdreg.scid  }
0x2: {  	s0 =	stileid.u32;
	s5 =	sand.u32 $0x1, s1  }
0x3: {  	s7 =	rddreg [dreg:$0x0];
	s2 =	sshll.u32 s0, $0x9;
	s3 =	sshll.u32 s5, $0x8  }
0x4: {  	s1 =	rddreg [dreg:$0x1];
	s6 =	sor.u32 s3, s2  }
0x5: {  	s2 =	simm.s32 $0x0;
	s3 =	sshrl.u32 s6, $0x3;
	s4 =	sor.u32 $0x10, s6  }
0x6: {  	[smem:$0x7FF] =	sst s2;
	s8 =	sor.u32 $0x30, s6;
	s9 =	sor.u32 $0x40, s6  }
0x7: {  	v0 =	vlaneseq.u32;
	s17 =	sor.u32 $0x50, s6;
	s19 =	sor.u32 $0x70, s6;
	s3 =	sadd.s32 s3, s7  }
0x8: {  	v15 =	vmul.u32 $0x10, v0;
	v1 =	vmov s6;
	v0 =	vmov s4;
	_ =	strace $0x80000047;
	s4 =	sadd.s32 $0x200400, s3;
	s3 =	simm.s32 $0x2  }
0x9: {  	v1 =	vshll.u32 v1, $0x4;
	v3 =	vmov s8;
	[tilespmem:s2], [sflag:$0x2] =	stream.linear.gather [hbm4b:s4+s2], $0x100, $0x38;
	[tilespmem:$0x8200] =	vst v63  }
0xa: {  	s22 =	sor.u32 $0xA0, s6;
	v4 =	vmov s9;
	v5 =	vmov s17;
	v6 =	vmov s19;
	_ =	swait.ge [sflag:s3], $0x100  }
0xb: {  	v7 =	vmov s22;
	v2 =	vshll.u32 v0, $0x4;
	v0 =	vor.u32 v15, v1;
	[sflag:s3] =	ssyncset.done $0x0  }
0xc: {  	s18 =	sor.u32 $0x60, s6;
	v3 =	vshll.u32 v3, $0x4;
	v4 =	vshll.u32 v4, $0x4;
	v14 =	vshll.u32 v5, $0x4;
	[sflag:s3] =	ssyncadd.s32 $0xFFFFFF00  }
0xd: {  	s20 =	sor.u32 $0x80, s6;
	s25 =	sor.u32 $0xE0, s6;
	v5 =	vmov s18;
	v12 =	vshll.u32 v6, $0x4;
	v9 =	vshll.u32 v7, $0x4;
	v6 =	vld [tilespmem:$0xE0]  }
0xe: {  	s21 =	sor.u32 $0x90, s6;
	v7 =	vmov s25;
	v13 =	vshll.u32 v5, $0x4;
	v5 =	vmov s20;
	v8 =	vld [tilespmem:$0xD0]  }
0xf: {  	s16 =	sor.u32 $0x20, s6;
	s23 =	sor.u32 $0xB0, s6;
	v1 =	vor.u32 v15, v2;
	v11 =	vshll.u32 v5, $0x4;
	v5 =	vmov s21;
	v16 =	vld [tilespmem:$0xC0]  }
0x10: {  	s24 =	sor.u32 $0xC0, s6;
	v2 =	vmov s16;
	v10 =	vshll.u32 v5, $0x4;
	v5 =	vmov s23;
	v20 =	vld [tilespmem:$0xA0]  }
0x11: {  	s26 =	sor.u32 $0xD0, s6;
	v7 =	vshll.u32 v7, $0x4;
	v17 =	vshll.u32 v5, $0x4;
	v5 =	vmov s24  }
0x12: {  	v9 =	vor.u32 v15, v9;
	v18 =	vld [tilespmem:$0xB0];
	v19 =	vshll.u32 v5, $0x4;
	v5 =	vmov s26  }
0x13: {  	v22 =	vld [tilespmem:$0x90];
	v21 =	vshll.u32 v5, $0x4;
	v5 =	vor.u32 v15, v7;
	v7 =	vshrl.u32 v6, $0x7  }
0x14: {  	v6 =	vor.u32 v15, v21;
	v21 =	vld [tilespmem:$0x80];
	v8 =	vshrl.u32 v8, $0x7;
	v16 =	vshrl.u32 v16, $0x7  }
0x15: {  	v20 =	vshrl.u32 v20, $0x7;
	v23 =	vadd.s32 v5, v7;
	v7 =	vor.u32 v15, v19;
	v19 =	vld [tilespmem:$0x70]  }
0x16: {  	v24 =	vadd.s32 v6, v8;
	v8 =	vor.u32 v15, v17;
	v17 =	vld [tilespmem:$0x60];
	v20 =	vadd.s32 v9, v20;
	[tilespmem:$0x1E0] =	vst v23  }
0x17: {  	s29 =	ssub.s32 $0x2, s5;
	v4 =	vor.u32 v15, v4;
	v63 =	vld [tilespmem:$0x40];
	v18 =	vshrl.u32 v18, $0x7;
	v16 =	vadd.s32 v7, v16;
	[tilespmem:$0x1A0] =	vst v20  }
0x18: {  	s30 =	sshrl.u32 s29, $0x1;
	v10 =	vor.u32 v15, v10;
	v23 =	vld [tilespmem:$0x50];
	v18 =	vadd.s32 v8, v18;
	[tilespmem:$0x1C0] =	vst v16;
	v16 =	vshrl.u32 v22, $0x7  }
0x19: {  	s8 =	ssub.s32 s29, s30;
	v11 =	vor.u32 v15, v11;
	[tilespmem:$0x1B0] =	vst v18;
	v18 =	vld [tilespmem:$0x30];
	v16 =	vadd.s32 v10, v16;
	v21 =	vshrl.u32 v21, $0x7  }
0x1a: {  	s13 =	smax.u32 s8, $0x1;
	v12 =	vor.u32 v15, v12;
	[tilespmem:$0x190] =	vst v16;
	v19 =	vshrl.u32 v19, $0x7;
	v21 =	vadd.s32 v11, v21  }
0x1b: {  	s31 =	sor.u32 $0xF0, s6;
	p0 =	sne.s32 s13, $0x1;
	v13 =	vor.u32 v15, v13;
	v20 =	vld [tilespmem:$0x20];
	v16 =	vshrl.u32 v17, $0x7;
	v17 =	vadd.s32 v12, v19;
	[tilespmem:$0x180] =	vst v21  }
.Ltmp0:
0x1c: {  	v14 =	vor.u32 v15, v14;
	v21 =	vadd.s32 v13, v16;
	v16 =	vld [tilespmem:$0x10];
	[tilespmem:$0x170] =	vst v17;
	v17 =	vmov s31;
	(pc) =	sbr.rel @!p0 .LBB2_2-.Ltmp0, $4  }
0x1d: {  	s10 =	simm.s32 $0x1;
	s28 =	sshll.u32 s6, $0x4;
	v2 =	vshll.u32 v2, $0x4;
	v22 =	vshrl.u32 v63, $0x7;
	[tilespmem:$0x160] =	vst v21;
	v21 =	vshll.u32 v17, $0x4;
	v17 =	vld [tilespmem:$0x0]  }
0x1e: {  	s11 =	simm.s32 $0x180;
	s5 =	sadd.s32 $0x400, s7;
	s7 =	sadd.s32 s28, s7;
	[tilespmem:$0x1D0] =	vst v24;
	v22 =	vadd.s32 v4, v22;
	v19 =	vshrl.u32 v23, $0x7;
	v23 =	vshrl.u32 v18, $0x7;
	v18 =	vld [tilespmem:$0xF0]  }
0x1f: {  	s12 =	simm.s32 $0x4200;
	s9 =	simm.s32 $0x100;
	s6 =	sadd.s32 $0x200800, s7;
	v3 =	vor.u32 v15, v3;
	v2 =	vor.u32 v15, v2;
	[tilespmem:$0x140] =	vst v22;
	v19 =	vadd.s32 v14, v19  }
0x20: {  	s7 =	simm.s32 $0x80;
	s8 =	simm.s32 $0x200;
	s13 =	sadd.s32 $0xFFFFFFFF, s13;
	[tilespmem:$0x150] =	vst v19;
	v19 =	vshrl.u32 v20, $0x7;
	v20 =	vadd.s32 v3, v23;
	v15 =	vor.u32 v15, v21  }
.LBB2_1:
0x21: {  	p0 =	sne.s32 s13, $0x1;
	s13 =	sadd.s32 $0xFFFFFFFF, s13;
	v16 =	vshrl.u32 v16, $0x7;
	[tilespmem:$0x130] =	vst v20  }
0x22: {  	v17 =	vshrl.u32 v17, $0x7;
	v16 =	vadd.s32 v1, v16  }
0x23: {  	v17 =	vadd.s32 v0, v17;
	[tilespmem:$0x110] =	vst v16;
	v16 =	vadd.s32 v2, v19;
	v18 =	vshrl.u32 v18, $0x7  }
0x24: {  	[tilespmem:$0x100] =	vst v17;
	v17 =	vadd.s32 v15, v18  }
0x25: {  	[tilespmem:$0x120] =	vst v16  }
0x26: {  	[tilespmem:$0x1F0] =	vst v17  }
0x27: {  	[tilespmem:s8], [sflag:$0x1] =	stream.indirect.gather [hbm4b:s5+s7], $0x80, s9, s7, $0xb8;
	[tilespmem:$0x8200] =	vst v63  }
0x28: {  	_ =	swait.ge [sflag:s10], $0x4000  }
0x29: {  	[sflag:s10] =	ssyncset.done $0x0  }
0x2a: {  	[sflag:s10] =	ssyncadd.s32 $0xFFFFC000  }
0x2b: {  	[tilespmem:s12], [sflag:$0x1] =	stream.indirect.gather [hbm4b:s5+s7], $0x80, s11, s7, $0xb8;
	[tilespmem:$0x8200] =	vst v63  }
0x2c: {  	_ =	swait.ge [sflag:s10], $0x4000  }
0x2d: {  	[sflag:s10] =	ssyncset.done $0x0  }
0x2e: {  	[sflag:s10] =	ssyncadd.s32 $0xFFFFC000  }
0x2f: {  	[hbm4b:s6+s2] =	stream.linear.scatter [tilespmem:s8], [sflag:$0x2], $0x8000, $0x38;
	[tilespmem:$0x8200] =	vst v63  }
0x30: {  	_ =	swait.ge [sflag:s3], $0x8000  }
0x31: {  	[sflag:s3] =	ssyncset.done $0x0  }
0x32: {  	[sflag:s3] =	ssyncadd.s32 $0xFFFF8000  }
0x33: {  	[tilespmem:s2], [sflag:$0x2] =	stream.linear.gather [hbm4b:s4+s2], $0x100, $0x38;
	[tilespmem:$0x8200] =	vst v63  }
0x34: {  	_ =	swait.ge [sflag:s3], $0x100  }
0x35: {  	[sflag:s3] =	ssyncset.done $0x0  }
0x36: {  	[sflag:s3] =	ssyncadd.s32 $0xFFFFFF00  }
0x37: {  	v16 =	vld [tilespmem:$0xE0]  }
0x38: {  	v17 =	vld [tilespmem:$0xD0]  }
0x39: {  	v18 =	vld [tilespmem:$0xC0]  }
0x3a: {  	v19 =	vld [tilespmem:$0xB0]  }
0x3b: {  	v20 =	vld [tilespmem:$0xA0]  }
0x3c: {  	v21 =	vld [tilespmem:$0x90];
	v16 =	vshrl.u32 v16, $0x7  }
0x3d: {  	v22 =	vld [tilespmem:$0x80];
	v17 =	vshrl.u32 v17, $0x7;
	v16 =	vadd.s32 v5, v16  }
0x3e: {  	v23 =	vld [tilespmem:$0x70];
	v18 =	vshrl.u32 v18, $0x7;
	v17 =	vadd.s32 v6, v17;
	[tilespmem:$0x1E0] =	vst v16  }
0x3f: {  	v24 =	vld [tilespmem:$0x60];
	v16 =	vshrl.u32 v19, $0x7;
	v18 =	vadd.s32 v7, v18;
	[tilespmem:$0x1D0] =	vst v17  }
0x40: {  	v19 =	vld [tilespmem:$0x50];
	v17 =	vshrl.u32 v20, $0x7;
	v16 =	vadd.s32 v8, v16;
	[tilespmem:$0x1C0] =	vst v18  }
0x41: {  	v18 =	vld [tilespmem:$0x40];
	v20 =	vshrl.u32 v21, $0x7;
	v17 =	vadd.s32 v9, v17;
	[tilespmem:$0x1B0] =	vst v16  }
0x42: {  	v21 =	vld [tilespmem:$0x30];
	v16 =	vshrl.u32 v22, $0x7;
	v20 =	vadd.s32 v10, v20;
	[tilespmem:$0x1A0] =	vst v17  }
0x43: {  	v22 =	vld [tilespmem:$0x20];
	v17 =	vshrl.u32 v23, $0x7;
	v23 =	vadd.s32 v11, v16;
	[tilespmem:$0x190] =	vst v20  }
.Ltmp1:
0x44: {  	v16 =	vld [tilespmem:$0x10];
	v20 =	vshrl.u32 v24, $0x7;
	v24 =	vadd.s32 v12, v17;
	[tilespmem:$0x180] =	vst v23;
	(pc) =	sbr.rel @p0 .LBB2_1-.Ltmp1, $4  }
0x45: {  	v17 =	vld [tilespmem:$0x0];
	v19 =	vshrl.u32 v19, $0x7;
	v20 =	vadd.s32 v13, v20;
	[tilespmem:$0x170] =	vst v24  }
0x46: {  	v23 =	vshrl.u32 v18, $0x7;
	v19 =	vadd.s32 v14, v19;
	[tilespmem:$0x160] =	vst v20;
	v18 =	vld [tilespmem:$0xF0]  }
0x47: {  	v20 =	vshrl.u32 v21, $0x7;
	v21 =	vadd.s32 v4, v23;
	[tilespmem:$0x150] =	vst v19  }
0x48: {  	v19 =	vshrl.u32 v22, $0x7;
	v20 =	vadd.s32 v3, v20;
	[tilespmem:$0x140] =	vst v21  }
.LBB2_2:
0x49: {  	v3 =	vshrl.u32 v16, $0x7;
	[tilespmem:$0x130] =	vst v20;
	v61 =	vadd.s32 v2, v19  }
0x4a: {  	v4 =	vshrl.u32 v17, $0x7;
	v1 =	vadd.s32 v1, v3;
	[tilespmem:$0x120] =	vst v61  }
0x4b: {  	v0 =	vadd.s32 v0, v4;
	[tilespmem:$0x110] =	vst v1;
	v62 =	vshrl.u32 v18, $0x7  }
0x4c: {  	[tilespmem:$0x100] =	vst v0;
	v63 =	vadd.s32 v15, v62  }
0x4d: {  	[tilespmem:$0x1F0] =	vst v63  }
0x4e: {  	[tilespmem:s8], [sflag:$0x1] =	stream.indirect.gather [hbm4b:s5+s7], $0x80, s9, s7, $0xb8;
	[tilespmem:$0x8200] =	vst v63  }
0x4f: {  	_ =	swait.ge [sflag:s10], $0x4000  }
0x50: {  	[sflag:s10] =	ssyncset.done $0x0  }
0x51: {  	[sflag:s10] =	ssyncadd.s32 $0xFFFFC000  }
0x52: {  	[tilespmem:s12], [sflag:$0x1] =	stream.indirect.gather [hbm4b:s5+s7], $0x80, s11, s7, $0xb8;
	[tilespmem:$0x8200] =	vst v63  }
0x53: {  	_ =	swait.ge [sflag:s10], $0x4000  }
0x54: {  	[sflag:s10] =	ssyncset.done $0x0  }
0x55: {  	[sflag:s10] =	ssyncadd.s32 $0xFFFFC000  }
0x56: {  	[hbm4b:s6+s2] =	stream.linear.scatter [tilespmem:s8], [sflag:$0x2], $0x8000, $0x38;
	[tilespmem:$0x8200] =	vst v63  }
0x57: {  	_ =	swait.ge [sflag:s3], $0x8000  }
0x58: {  	[sflag:s3] =	ssyncset.done $0x0  }
0x59: {  	[sflag:s3] =	ssyncadd.s32 $0xFFFF8000  }
0x5a: {  	_ =	sfence.sel $0x180000  }
0x5b: {  	[bflag:$0x0] =	sbarrier.arrive $0xFFFF  }
0x5c: {  	p0 =	sne.s32 s0, $0x0;
	_ =	strace $0x90000047  }
0x5d: {  	s0 =	sadd.s32 @!p0 $0x100000, s1;
	[bflag:$0x2] =	sbarrier.arrive $0xFFFF  }
0x5e: {  	[sflag:s0] =	ssyncadd.tile.s32 @!p0 $0x1;
	_ =	shalt  }
.Lfunc_end2:
_tile_overlayer_lowered:
.L_overlay_start_2:
0x5f: {  	(tag) =	ssettag $0x2  }
0x60: {  	s0 =	rddreg [dreg:$0x0];
	s2 =	stileid.u32  }
0x61: {  	s1 =	rddreg [dreg:$0x1];
	p0 =	sne.s32 s2, $0x0  }
0x62: {  	s3 =	rddreg [dreg:$0x2];
	[bflag:$0x3] =	sbarrier.arrive $0xFFFF;
	s2 =	simm.s32 @!p0 $0x1C02  }
0x63: {  	[timem:s3], [sflag:s2] =	dma.local @!p0 [hbm:s0], s1  }
0x64: {  	s0 =	simm.s32 @!p0 $0x2  }
0x65: {  	_ =	swait.ge @!p0 [sflag:s0], s1  }
0x66: {  	s1 =	ssub.s32 @!p0 $0x0, s1;
	[sflag:s0] =	ssyncset.done @!p0 $0x0  }
0x67: {  	[sflag:s0] =	ssyncadd.s32 @!p0 s1  }
0x68: {  	[bflag:$0x3] =	sbarrier.arrive $0xFFFF  }
0x69: {  	_ =	shalt  }

</sc_bundles>
